<compile_context>
chip_gen: v7x
topology: tpu7x:2x2x1
jax: 0.10.2.dev20260603
libtpu: 0.0.44.dev20260713+nightly
codegen_flags: <defaults>
</compile_context>

<pallas_src>
import functools

import jax
import jax.numpy as jnp
from jax import lax
from jax.experimental import pallas as pl
from jax.experimental.pallas import tpu as pltpu
from jax.experimental.pallas import tpu_sc as plsc

_NC = 2
_NS = 16
_L = 16
_NW = _NC * _NS


def _sc_argmax(weights_flat, B, E):
    b_per_w = B // _NW
    n_grp = b_per_w // _L
    mesh = plsc.VectorSubcoreMesh(core_axis_name="c", subcore_axis_name="s")

    @functools.partial(
        pl.kernel,
        out_type=jax.ShapeDtypeStruct((B,), jnp.int32),
        mesh=mesh,
        scratch_types=[
            pltpu.VMEM((b_per_w * E,), jnp.float32),
            pltpu.VMEM((b_per_w,), jnp.int32),
        ],
        compiler_params=pltpu.CompilerParams(needs_layout_passes=False),
    )
    def k(w_hbm, out_hbm, w_v, idx_v):
        wid = lax.axis_index("s") * _NC + lax.axis_index("c")
        base = wid * b_per_w

        pltpu.sync_copy(w_hbm.at[pl.ds(base * E, b_per_w * E)], w_v)

        iota = lax.iota(jnp.int32, _L)

        def argmax_group(g, _):
            fvec = (g * _L + iota) * E
            best_v = plsc.load_gather(w_v, [fvec])
            best_i = jnp.zeros((_L,), jnp.int32)
            for e in range(1, E):
                v = plsc.load_gather(w_v, [fvec + e])
                p = v > best_v
                best_v = jnp.where(p, v, best_v)
                best_i = jnp.where(p, e, best_i)
            idx_v[pl.ds(g * _L, _L)] = best_i
            return 0

        lax.fori_loop(0, n_grp, argmax_group, 0)
        pltpu.sync_copy(idx_v, out_hbm.at[pl.ds(base, b_per_w)])

    return k(weights_flat)


def _tc_expand(elems, op_cat, B, E, d):
    BLK = 2048
    NB = B // BLK

    def body(e_ref, t_ref, o_ref):
        e = e_ref[0, 0, :].reshape(BLK, 1)
        acc = jnp.broadcast_to(t_ref[0:1, :], (BLK, d))
        for k in range(1, E):
            acc = jnp.where(
                e == k, jnp.broadcast_to(t_ref[k:k + 1, :], (BLK, d)), acc)
        o_ref[...] = acc

    return pl.pallas_call(
        body,
        grid=(NB,),
        in_specs=[
            pl.BlockSpec((1, 1, BLK), lambda i: (i, 0, 0)),
            pl.BlockSpec((E, d), lambda i: (0, 0)),
        ],
        out_specs=pl.BlockSpec((BLK, d), lambda i: (i, 0)),
        out_shape=jax.ShapeDtypeStruct((B, d), jnp.float32),
    )(elems.reshape(NB, 1, BLK), op_cat)


def kernel(opinions, weights):
    E, B, d = opinions.shape
    op_cat = opinions.reshape(E * B, d)
    elems = _sc_argmax(weights.reshape(B * E), B, E)
    return _tc_expand(elems, op_cat, B, E, d)

# --- scband reference (transcript-rebuilt; emitter-appended) ---
"""Pipeline reference for scband-output-layer-41961830482215 (READ-ONLY COPY).

The authoritative reference and input builder live on the scoring server;
editing this copy changes nothing except your own understanding.
"""

import jax, jax.numpy as jnp
import numpy as np


def setup_inputs(seed: int = 0) -> dict:
    key = jax.random.key(seed)
    k1, k2 = jax.random.split(key)
    E, B, d = 8, 8192, 768
    opinions = jax.random.normal(k1, (E, B, d), dtype=jnp.float32)
    weights = jax.random.normal(k2, (B, E), dtype=jnp.float32)
    return {"opinions": opinions, "weights": weights}


def reference(opinions, weights):
    # Faithful translation of the Keras OutputLayer.call:
    #   opinions = Concatenate(axis=0)(opinions)  -> [E, B, d] list concat == reshape(E*B, d)
    #   weights  = Concatenate(axis=1)(weights)   -> [B, E]
    #   elems = argmax(weights, axis=1)           -> [B] int in [0, E)
    #   outputs = map_fn(lambda x: opinions[x], elems)  -> row-gather from concatenated opinions
    E, B, d = opinions.shape
    op_cat = opinions.reshape(E * B, d)
    elems = jnp.argmax(weights, axis=1)
    outputs = jnp.take(op_cat, elems, axis=0)
    return outputs

if __name__ == "__main__":
    import jax
    _d = setup_inputs()
    print(jax.jit(kernel)(*tuple(_d.values())))

</pallas_src>

<mosaic_0001>
#map = affine_map<(d0, d1) -> (0)>
module attributes {stable_mosaic.version = 14 : i64} {
  func.func @k(%arg0: i32, %arg1: i32, %arg2: memref<65536xf32, #tpu.memory_space<hbm>>, %arg3: memref<8192xi32, #tpu.memory_space<hbm>>, %arg4: memref<2048xf32, #tpu.memory_space<vmem>>, %arg5: memref<256xi32, #tpu.memory_space<vmem>>) attributes {dimension_semantics = [#tpu.dimension_semantics<core_parallel>, #tpu.dimension_semantics<subcore_parallel>], iteration_bounds = array<i64: 2, 16>, scalar_prefetch = 0 : i64, scratch_operands = 2 : i64, tpu.core_type = #tpu.core_type<sc_vector_subcore>, window_params = [{transform_indices = #map}, {transform_indices = #map}]} {
    %mul3A = arith.constant 2 : i32
    %mul3A_0 = arith.muli %arg1, %mul3A : i32
    %add3A = arith.addi %mul3A_0, %arg0 : i32
    %mul3A_1 = arith.constant 256 : i32
    %mul3A_2 = arith.muli %add3A, %mul3A_1 : i32
    %mul3A_3 = arith.constant 8 : i32
    %mul3A_4 = arith.muli %mul3A_2, %mul3A_3 : i32
    "tpu.region"() ({
      %run_scoped3A = tpu.sem_alloc : memref<!tpu.dma_semaphore, #tpu.memory_space<semaphore_mem>>
      %dma_start3A = tpu.memref_slice %arg2[%mul3A_4] : memref<65536xf32, #tpu.memory_space<hbm>> -> memref<2048xf32, #tpu.memory_space<hbm>>
      %dma_start3A_11 = tpu.memref_slice %arg2[%mul3A_4] : memref<65536xf32, #tpu.memory_space<hbm>> -> memref<2048xf32, #tpu.memory_space<hbm>>
      tpu.enqueue_dma source(%dma_start3A_11 : memref<2048xf32, #tpu.memory_space<hbm>>) target(%arg4 : memref<2048xf32, #tpu.memory_space<vmem>>) target_semaphore(%run_scoped3A : memref<!tpu.dma_semaphore, #tpu.memory_space<semaphore_mem>>)
      %dma_wait3A = tpu.memref_slice %arg2[%mul3A_4] : memref<65536xf32, #tpu.memory_space<hbm>> -> memref<2048xf32, #tpu.memory_space<hbm>>
      %dma_wait3A_12 = tpu.memref_slice %arg2[%mul3A_4] : memref<65536xf32, #tpu.memory_space<hbm>> -> memref<2048xf32, #tpu.memory_space<hbm>>
      tpu.wait_dma2 semaphore(%run_scoped3A : memref<!tpu.dma_semaphore, #tpu.memory_space<semaphore_mem>>) src(%dma_wait3A_12 : memref<2048xf32, #tpu.memory_space<hbm>>) dst(%arg4 : memref<2048xf32, #tpu.memory_space<vmem>>)
      tpu.yield
    }) : () -> ()
    %iota3A = tpu.iota {dimensions = array<i32: 0>} : vector<16xi32>
    %scan3A = arith.constant 0 : i32
    %scan3A_5 = arith.constant 0 : i32
    %scan3A_6 = arith.constant 16 : i32
    %scan3A_7 = arith.addi %scan3A_5, %scan3A_6 : i32
    %scan3A_8 = arith.constant 1 : i32
    %scan3A_9 = scf.for %scan3A_11 = %scan3A_5 to %scan3A_7 step %scan3A_8 iter_args(%scan3A_12 = %scan3A) -> (i32)  : i32 {
      %mul3A_13 = arith.constant 16 : i32
      %mul3A_14 = arith.muli %scan3A_11, %mul3A_13 : i32
      %add3A_15 = vector.broadcast %mul3A_14 : i32 to vector<16xi32>
      %add3A_16 = arith.addi %add3A_15, %iota3A : vector<16xi32>
      %mul3A_17 = arith.constant 8 : i32
      %mul3A_18 = vector.broadcast %mul3A_17 : i32 to vector<16xi32>
      %mul3A_19 = arith.muli %add3A_16, %mul3A_18 : vector<16xi32>
      %gather3A = tpu.vector_load_idx %arg4[%mul3A_19] : memref<2048xf32, #tpu.memory_space<vmem>>[vector<16xi32>], vector<16xf32>,
      %broadcast_in_dim3A = arith.constant 0 : i32
      %broadcast_in_dim3A_20 = vector.broadcast %broadcast_in_dim3A : i32 to vector<16xi32>
      %add3A_21 = arith.constant 1 : i32
      %add3A_22 = vector.broadcast %add3A_21 : i32 to vector<16xi32>
      %add3A_23 = arith.addi %mul3A_19, %add3A_22 : vector<16xi32>
      %gather3A_24 = tpu.vector_load_idx %arg4[%add3A_23] : memref<2048xf32, #tpu.memory_space<vmem>>[vector<16xi32>], vector<16xf32>,
      %gt3A = arith.cmpf ogt, %gather3A_24, %gather3A : vector<16xf32>
      %select_n3A = arith.select %gt3A, %gather3A_24, %gather3A : vector<16xi1>, vector<16xf32>
      %jit3A = arith.constant 1 : i32
      %broadcast_in_dim3A_25 = vector.broadcast %jit3A : i32 to vector<16xi32>
      %select_n3A_26 = arith.select %gt3A, %broadcast_in_dim3A_25, %broadcast_in_dim3A_20 : vector<16xi1>, vector<16xi32>
      %add3A_27 = arith.constant 2 : i32
      %add3A_28 = vector.broadcast %add3A_27 : i32 to vector<16xi32>
      %add3A_29 = arith.addi %mul3A_19, %add3A_28 : vector<16xi32>
      %gather3A_30 = tpu.vector_load_idx %arg4[%add3A_29] : memref<2048xf32, #tpu.memory_space<vmem>>[vector<16xi32>], vector<16xf32>,
      %gt3A_31 = arith.cmpf ogt, %gather3A_30, %select_n3A : vector<16xf32>
      %select_n3A_32 = arith.select %gt3A_31, %gather3A_30, %select_n3A : vector<16xi1>, vector<16xf32>
      %jit3A_33 = arith.constant 2 : i32
      %broadcast_in_dim3A_34 = vector.broadcast %jit3A_33 : i32 to vector<16xi32>
      %select_n3A_35 = arith.select %gt3A_31, %broadcast_in_dim3A_34, %select_n3A_26 : vector<16xi1>, vector<16xi32>
      %add3A_36 = arith.constant 3 : i32
      %add3A_37 = vector.broadcast %add3A_36 : i32 to vector<16xi32>
      %add3A_38 = arith.addi %mul3A_19, %add3A_37 : vector<16xi32>
      %gather3A_39 = tpu.vector_load_idx %arg4[%add3A_38] : memref<2048xf32, #tpu.memory_space<vmem>>[vector<16xi32>], vector<16xf32>,
      %gt3A_40 = arith.cmpf ogt, %gather3A_39, %select_n3A_32 : vector<16xf32>
      %select_n3A_41 = arith.select %gt3A_40, %gather3A_39, %select_n3A_32 : vector<16xi1>, vector<16xf32>
      %jit3A_42 = arith.constant 3 : i32
      %broadcast_in_dim3A_43 = vector.broadcast %jit3A_42 : i32 to vector<16xi32>
      %select_n3A_44 = arith.select %gt3A_40, %broadcast_in_dim3A_43, %select_n3A_35 : vector<16xi1>, vector<16xi32>
      %add3A_45 = arith.constant 4 : i32
      %add3A_46 = vector.broadcast %add3A_45 : i32 to vector<16xi32>
      %add3A_47 = arith.addi %mul3A_19, %add3A_46 : vector<16xi32>
      %gather3A_48 = tpu.vector_load_idx %arg4[%add3A_47] : memref<2048xf32, #tpu.memory_space<vmem>>[vector<16xi32>], vector<16xf32>,
      %gt3A_49 = arith.cmpf ogt, %gather3A_48, %select_n3A_41 : vector<16xf32>
      %select_n3A_50 = arith.select %gt3A_49, %gather3A_48, %select_n3A_41 : vector<16xi1>, vector<16xf32>
      %jit3A_51 = arith.constant 4 : i32
      %broadcast_in_dim3A_52 = vector.broadcast %jit3A_51 : i32 to vector<16xi32>
      %select_n3A_53 = arith.select %gt3A_49, %broadcast_in_dim3A_52, %select_n3A_44 : vector<16xi1>, vector<16xi32>
      %add3A_54 = arith.constant 5 : i32
      %add3A_55 = vector.broadcast %add3A_54 : i32 to vector<16xi32>
      %add3A_56 = arith.addi %mul3A_19, %add3A_55 : vector<16xi32>
      %gather3A_57 = tpu.vector_load_idx %arg4[%add3A_56] : memref<2048xf32, #tpu.memory_space<vmem>>[vector<16xi32>], vector<16xf32>,
      %gt3A_58 = arith.cmpf ogt, %gather3A_57, %select_n3A_50 : vector<16xf32>
      %select_n3A_59 = arith.select %gt3A_58, %gather3A_57, %select_n3A_50 : vector<16xi1>, vector<16xf32>
      %jit3A_60 = arith.constant 5 : i32
      %broadcast_in_dim3A_61 = vector.broadcast %jit3A_60 : i32 to vector<16xi32>
      %select_n3A_62 = arith.select %gt3A_58, %broadcast_in_dim3A_61, %select_n3A_53 : vector<16xi1>, vector<16xi32>
      %add3A_63 = arith.constant 6 : i32
      %add3A_64 = vector.broadcast %add3A_63 : i32 to vector<16xi32>
      %add3A_65 = arith.addi %mul3A_19, %add3A_64 : vector<16xi32>
      %gather3A_66 = tpu.vector_load_idx %arg4[%add3A_65] : memref<2048xf32, #tpu.memory_space<vmem>>[vector<16xi32>], vector<16xf32>,
      %gt3A_67 = arith.cmpf ogt, %gather3A_66, %select_n3A_59 : vector<16xf32>
      %select_n3A_68 = arith.select %gt3A_67, %gather3A_66, %select_n3A_59 : vector<16xi1>, vector<16xf32>
      %jit3A_69 = arith.constant 6 : i32
      %broadcast_in_dim3A_70 = vector.broadcast %jit3A_69 : i32 to vector<16xi32>
      %select_n3A_71 = arith.select %gt3A_67, %broadcast_in_dim3A_70, %select_n3A_62 : vector<16xi1>, vector<16xi32>
      %add3A_72 = arith.constant 7 : i32
      %add3A_73 = vector.broadcast %add3A_72 : i32 to vector<16xi32>
      %add3A_74 = arith.addi %mul3A_19, %add3A_73 : vector<16xi32>
      %gather3A_75 = tpu.vector_load_idx %arg4[%add3A_74] : memref<2048xf32, #tpu.memory_space<vmem>>[vector<16xi32>], vector<16xf32>,
      %gt3A_76 = arith.cmpf ogt, %gather3A_75, %select_n3A_68 : vector<16xf32>
      %select_n3A_77 = arith.select %gt3A_76, %gather3A_75, %select_n3A_68 : vector<16xi1>, vector<16xf32>
      %jit3A_78 = arith.constant 7 : i32
      %broadcast_in_dim3A_79 = vector.broadcast %jit3A_78 : i32 to vector<16xi32>
      %select_n3A_80 = arith.select %gt3A_76, %broadcast_in_dim3A_79, %select_n3A_71 : vector<16xi1>, vector<16xi32>
      %mul3A_81 = arith.constant 16 : i32
      %mul3A_82 = arith.muli %scan3A_11, %mul3A_81 : i32
      %swap3A = arith.index_cast %mul3A_82 : i32 to index
      %swap3A_83 = tpu.vector_load %arg5[%swap3A] {strides = array<i32>} : memref<256xi32, #tpu.memory_space<vmem>>, vector<16xi32>,
      tpu.vector_store %arg5[%swap3A], %select_n3A_80 {strides = array<i32>} : memref<256xi32, #tpu.memory_space<vmem>>, vector<16xi32>,
      %scan3A_84 = arith.constant 0 : i32
      scf.yield %scan3A_84 : i32
    }
    %scan3A_10 = arith.constant 16 : i32
    "tpu.region"() ({
      %run_scoped3A = tpu.sem_alloc : memref<!tpu.dma_semaphore, #tpu.memory_space<semaphore_mem>>
      %dma_start3A = tpu.memref_slice %arg3[%mul3A_2] : memref<8192xi32, #tpu.memory_space<hbm>> -> memref<256xi32, #tpu.memory_space<hbm>>
      %dma_start3A_11 = tpu.memref_slice %arg3[%mul3A_2] : memref<8192xi32, #tpu.memory_space<hbm>> -> memref<256xi32, #tpu.memory_space<hbm>>
      tpu.enqueue_dma source(%arg5 : memref<256xi32, #tpu.memory_space<vmem>>) target(%dma_start3A_11 : memref<256xi32, #tpu.memory_space<hbm>>) target_semaphore(%run_scoped3A : memref<!tpu.dma_semaphore, #tpu.memory_space<semaphore_mem>>)
      %dma_wait3A = tpu.memref_slice %arg3[%mul3A_2] : memref<8192xi32, #tpu.memory_space<hbm>> -> memref<256xi32, #tpu.memory_space<hbm>>
      %dma_wait3A_12 = tpu.memref_slice %arg3[%mul3A_2] : memref<8192xi32, #tpu.memory_space<hbm>> -> memref<256xi32, #tpu.memory_space<hbm>>
      tpu.wait_dma2 semaphore(%run_scoped3A : memref<!tpu.dma_semaphore, #tpu.memory_space<semaphore_mem>>) src(%arg5 : memref<256xi32, #tpu.memory_space<vmem>>) dst(%dma_wait3A_12 : memref<256xi32, #tpu.memory_space<hbm>>)
      tpu.yield
    }) : () -> ()
    return
  }
}

module attributes {stable_mosaic.version = 14 : i64} {
  func.func @body(%arg0: i32, %arg1: memref<1x1x2048xi32, #tpu.memory_space<vmem>>, %arg2: memref<8x768xf32, #tpu.memory_space<vmem>>, %arg3: memref<2048x768xf32, #tpu.memory_space<vmem>>) attributes {dimension_semantics = [#tpu.dimension_semantics<arbitrary>], iteration_bounds = array<i64: 4>, scalar_prefetch = 0 : i64, scratch_operands = 0 : i64, tpu.core_type = #tpu.core_type<tc>, window_params = [{transform_indices = @transform_0, window_bounds = array<i64: 1, 1, 2048>}, {transform_indices = @transform_1, window_bounds = array<i64: 8, 768>}, {transform_indices = @transform_2, window_bounds = array<i64: 2048, 768>}]} {
    %get3A = arith.constant 0 : index
    %get3A_0 = arith.constant 0 : index
    %get3A_1 = arith.constant 0 : index
    %get3A_2 = vector.load %arg1[%get3A, %get3A_0, %get3A_1] : memref<1x1x2048xi32, #tpu.memory_space<vmem>>, vector<1x1x2048xi32>
    %get3A_3 = vector.shape_cast %get3A_2 : vector<1x1x2048xi32> to vector<2048xi32>
    %reshape3A = vector.shape_cast %get3A_3 : vector<2048xi32> to vector<2048x1xi32>
    %get3A_4 = arith.constant 0 : index
    %get3A_5 = arith.constant 0 : index
    %get3A_6 = vector.load %arg2[%get3A_4, %get3A_5] : memref<8x768xf32, #tpu.memory_space<vmem>>, vector<1x768xf32>
    %broadcast_in_dim3A = vector.shape_cast %get3A_6 : vector<1x768xf32> to vector<1x768xf32>
    %broadcast_in_dim3A_7 = vector.broadcast %broadcast_in_dim3A : vector<1x768xf32> to vector<2048x768xf32>
    %eq3A = arith.constant 1 : i32
    %eq3A_8 = vector.broadcast %eq3A : i32 to vector<2048x1xi32>
    %eq3A_9 = arith.cmpi eq, %reshape3A, %eq3A_8 : vector<2048x1xi32>
    %get3A_10 = arith.constant 1 : index
    %get3A_11 = arith.constant 0 : index
    %get3A_12 = vector.load %arg2[%get3A_10, %get3A_11] : memref<8x768xf32, #tpu.memory_space<vmem>>, vector<1x768xf32>
    %broadcast_in_dim3A_13 = vector.shape_cast %get3A_12 : vector<1x768xf32> to vector<1x768xf32>
    %broadcast_in_dim3A_14 = vector.broadcast %broadcast_in_dim3A_13 : vector<1x768xf32> to vector<2048x768xf32>
    %broadcast_in_dim3A_15 = vector.shape_cast %eq3A_9 : vector<2048x1xi1> to vector<2048x1xi1>
    %broadcast_in_dim3A_16 = vector.broadcast %broadcast_in_dim3A_15 : vector<2048x1xi1> to vector<2048x768xi1>
    %select_n3A = arith.select %broadcast_in_dim3A_16, %broadcast_in_dim3A_14, %broadcast_in_dim3A_7 : vector<2048x768xi1>, vector<2048x768xf32>
    %eq3A_17 = arith.constant 2 : i32
    %eq3A_18 = vector.broadcast %eq3A_17 : i32 to vector<2048x1xi32>
    %eq3A_19 = arith.cmpi eq, %reshape3A, %eq3A_18 : vector<2048x1xi32>
    %get3A_20 = arith.constant 2 : index
    %get3A_21 = arith.constant 0 : index
    %get3A_22 = vector.load %arg2[%get3A_20, %get3A_21] : memref<8x768xf32, #tpu.memory_space<vmem>>, vector<1x768xf32>
    %broadcast_in_dim3A_23 = vector.shape_cast %get3A_22 : vector<1x768xf32> to vector<1x768xf32>
    %broadcast_in_dim3A_24 = vector.broadcast %broadcast_in_dim3A_23 : vector<1x768xf32> to vector<2048x768xf32>
    %broadcast_in_dim3A_25 = vector.shape_cast %eq3A_19 : vector<2048x1xi1> to vector<2048x1xi1>
    %broadcast_in_dim3A_26 = vector.broadcast %broadcast_in_dim3A_25 : vector<2048x1xi1> to vector<2048x768xi1>
    %select_n3A_27 = arith.select %broadcast_in_dim3A_26, %broadcast_in_dim3A_24, %select_n3A : vector<2048x768xi1>, vector<2048x768xf32>
    %eq3A_28 = arith.constant 3 : i32
    %eq3A_29 = vector.broadcast %eq3A_28 : i32 to vector<2048x1xi32>
    %eq3A_30 = arith.cmpi eq, %reshape3A, %eq3A_29 : vector<2048x1xi32>
    %get3A_31 = arith.constant 3 : index
    %get3A_32 = arith.constant 0 : index
    %get3A_33 = vector.load %arg2[%get3A_31, %get3A_32] : memref<8x768xf32, #tpu.memory_space<vmem>>, vector<1x768xf32>
    %broadcast_in_dim3A_34 = vector.shape_cast %get3A_33 : vector<1x768xf32> to vector<1x768xf32>
    %broadcast_in_dim3A_35 = vector.broadcast %broadcast_in_dim3A_34 : vector<1x768xf32> to vector<2048x768xf32>
    %broadcast_in_dim3A_36 = vector.shape_cast %eq3A_30 : vector<2048x1xi1> to vector<2048x1xi1>
    %broadcast_in_dim3A_37 = vector.broadcast %broadcast_in_dim3A_36 : vector<2048x1xi1> to vector<2048x768xi1>
    %select_n3A_38 = arith.select %broadcast_in_dim3A_37, %broadcast_in_dim3A_35, %select_n3A_27 : vector<2048x768xi1>, vector<2048x768xf32>
    %eq3A_39 = arith.constant 4 : i32
    %eq3A_40 = vector.broadcast %eq3A_39 : i32 to vector<2048x1xi32>
    %eq3A_41 = arith.cmpi eq, %reshape3A, %eq3A_40 : vector<2048x1xi32>
    %get3A_42 = arith.constant 4 : index
    %get3A_43 = arith.constant 0 : index
    %get3A_44 = vector.load %arg2[%get3A_42, %get3A_43] : memref<8x768xf32, #tpu.memory_space<vmem>>, vector<1x768xf32>
    %broadcast_in_dim3A_45 = vector.shape_cast %get3A_44 : vector<1x768xf32> to vector<1x768xf32>
    %broadcast_in_dim3A_46 = vector.broadcast %broadcast_in_dim3A_45 : vector<1x768xf32> to vector<2048x768xf32>
    %broadcast_in_dim3A_47 = vector.shape_cast %eq3A_41 : vector<2048x1xi1> to vector<2048x1xi1>
    %broadcast_in_dim3A_48 = vector.broadcast %broadcast_in_dim3A_47 : vector<2048x1xi1> to vector<2048x768xi1>
    %select_n3A_49 = arith.select %broadcast_in_dim3A_48, %broadcast_in_dim3A_46, %select_n3A_38 : vector<2048x768xi1>, vector<2048x768xf32>
    %eq3A_50 = arith.constant 5 : i32
    %eq3A_51 = vector.broadcast %eq3A_50 : i32 to vector<2048x1xi32>
    %eq3A_52 = arith.cmpi eq, %reshape3A, %eq3A_51 : vector<2048x1xi32>
    %get3A_53 = arith.constant 5 : index
    %get3A_54 = arith.constant 0 : index
    %get3A_55 = vector.load %arg2[%get3A_53, %get3A_54] : memref<8x768xf32, #tpu.memory_space<vmem>>, vector<1x768xf32>
    %broadcast_in_dim3A_56 = vector.shape_cast %get3A_55 : vector<1x768xf32> to vector<1x768xf32>
    %broadcast_in_dim3A_57 = vector.broadcast %broadcast_in_dim3A_56 : vector<1x768xf32> to vector<2048x768xf32>
    %broadcast_in_dim3A_58 = vector.shape_cast %eq3A_52 : vector<2048x1xi1> to vector<2048x1xi1>
    %broadcast_in_dim3A_59 = vector.broadcast %broadcast_in_dim3A_58 : vector<2048x1xi1> to vector<2048x768xi1>
    %select_n3A_60 = arith.select %broadcast_in_dim3A_59, %broadcast_in_dim3A_57, %select_n3A_49 : vector<2048x768xi1>, vector<2048x768xf32>
    %eq3A_61 = arith.constant 6 : i32
    %eq3A_62 = vector.broadcast %eq3A_61 : i32 to vector<2048x1xi32>
    %eq3A_63 = arith.cmpi eq, %reshape3A, %eq3A_62 : vector<2048x1xi32>
    %get3A_64 = arith.constant 6 : index
    %get3A_65 = arith.constant 0 : index
    %get3A_66 = vector.load %arg2[%get3A_64, %get3A_65] : memref<8x768xf32, #tpu.memory_space<vmem>>, vector<1x768xf32>
    %broadcast_in_dim3A_67 = vector.shape_cast %get3A_66 : vector<1x768xf32> to vector<1x768xf32>
    %broadcast_in_dim3A_68 = vector.broadcast %broadcast_in_dim3A_67 : vector<1x768xf32> to vector<2048x768xf32>
    %broadcast_in_dim3A_69 = vector.shape_cast %eq3A_63 : vector<2048x1xi1> to vector<2048x1xi1>
    %broadcast_in_dim3A_70 = vector.broadcast %broadcast_in_dim3A_69 : vector<2048x1xi1> to vector<2048x768xi1>
    %select_n3A_71 = arith.select %broadcast_in_dim3A_70, %broadcast_in_dim3A_68, %select_n3A_60 : vector<2048x768xi1>, vector<2048x768xf32>
    %eq3A_72 = arith.constant 7 : i32
    %eq3A_73 = vector.broadcast %eq3A_72 : i32 to vector<2048x1xi32>
    %eq3A_74 = arith.cmpi eq, %reshape3A, %eq3A_73 : vector<2048x1xi32>
    %get3A_75 = arith.constant 7 : index
    %get3A_76 = arith.constant 0 : index
    %get3A_77 = vector.load %arg2[%get3A_75, %get3A_76] : memref<8x768xf32, #tpu.memory_space<vmem>>, vector<1x768xf32>
    %broadcast_in_dim3A_78 = vector.shape_cast %get3A_77 : vector<1x768xf32> to vector<1x768xf32>
    %broadcast_in_dim3A_79 = vector.broadcast %broadcast_in_dim3A_78 : vector<1x768xf32> to vector<2048x768xf32>
    %broadcast_in_dim3A_80 = vector.shape_cast %eq3A_74 : vector<2048x1xi1> to vector<2048x1xi1>
    %broadcast_in_dim3A_81 = vector.broadcast %broadcast_in_dim3A_80 : vector<2048x1xi1> to vector<2048x768xi1>
    %select_n3A_82 = arith.select %broadcast_in_dim3A_81, %broadcast_in_dim3A_79, %select_n3A_71 : vector<2048x768xi1>, vector<2048x768xf32>
    %swap3A = arith.constant 0 : index
    %swap3A_83 = arith.constant 0 : index
    %swap3A_84 = vector.load %arg3[%swap3A, %swap3A_83] : memref<2048x768xf32, #tpu.memory_space<vmem>>, vector<2048x768xf32>
    tpu.vector_store %arg3[%swap3A, %swap3A_83], %select_n3A_82 {strides = array<i32>} : memref<2048x768xf32, #tpu.memory_space<vmem>>, vector<2048x768xf32>,
    return
  }
  func.func @transform_0(%arg0: i32) -> (i32, i32, i32) {
    %c0_i32 = arith.constant 0 : i32
    %c0_i32_0 = arith.constant 0 : i32
    %c0_i32_1 = arith.constant 0 : i32
    return %arg0, %c0_i32, %c0_i32_0 : i32, i32, i32
  }
  func.func @transform_1(%arg0: i32) -> (i32, i32) {
    %c0_i32 = arith.constant 0 : i32
    %c0_i32_0 = arith.constant 0 : i32
    %c0_i32_1 = arith.constant 0 : i32
    return %c0_i32, %c0_i32_0 : i32, i32
  }
  func.func @transform_2(%arg0: i32) -> (i32, i32) {
    %c0_i32 = arith.constant 0 : i32
    %c0_i32_0 = arith.constant 0 : i32
    return %arg0, %c0_i32 : i32, i32
  }
}

</mosaic_0001>

<sc_bundles>
// kernel: kernel.4.cloned.1.call-start
scs
__scs_entry_jumppad:
0x0: {  	(pc) =	sbr.rel $0x88, $3  }
0x1: {  	(tag) =	ssettag $0x0;
	lr =	simm.s32 $0x1  }
0x2: {  	[smem:$0x3F9F] =	sst lr;
	_ =	strace $0xD0000000  }
0x3: {  	_ = 	snop  }
0x4: {  	_ = 	snop  }
0x5: {  	_ = 	snop  }
0x6: {  	_ = 	snop  }
0x7: {  	_ = 	snop  }
__scs_overlays_trampoline_lowered:
0x8: {  	[smem:$0x3FAE] =	sst s0  }
0x9: {  	[smem:$0x3FAF] =	sst s1  }
0xa: {  	[smem:$0x3FB0] =	sst s2  }
0xb: {  	[smem:$0x3FB1] =	sst s3  }
0xc: {  	[smem:$0x3FB2] =	sst s4  }
0xd: {  	[smem:$0x3FB3] =	sst s5  }
0xe: {  	[smem:$0x3FB4] =	sst s6  }
0xf: {  	[smem:$0x3FB5] =	sst s7  }
0x10: {  	[smem:$0x3FB6] =	sst s8  }
0x11: {  	[smem:$0x3FB7] =	sst s9;
	s0 =	simm.s32 @!p0 $0x0  }
0x12: {  	s1 =	sld [smem:$0x3F9D];
	s0 =	simm.s32 @p0 $0x1  }
0x13: {  	[smem:$0x3FB8] =	sst s0;
	s0 =	simm.s32 @!p1 $0x0  }
0x14: {  	s2 =	sld [smem:$0x3F9C];
	s0 =	simm.s32 @p1 $0x1  }
0x15: {  	[smem:$0x3FB9] =	sst s0;
	s0 =	simm.s32 @!p2 $0x0  }
0x16: {  	s3 =	sld [smem:$0x3FDB];
	s0 =	simm.s32 @p2 $0x1  }
0x17: {  	s4 =	simm.s32 $0x1BF5;
	[smem:$0x3FBB] =	sst s0  }
0x18: {  	s0 =	sld [smem:$0x3F9E];
	_ =	swait.ge [sflag:s4], $0x0  }
0x19: {  	s7 =	sld [smem:$0x3F9F]  }
0x1a: {  	s8 =	sadd.s32 $0xFFFFE003, lr  }
0x1b: {  	s9 =	sadd.s32 $0xFFFFFEF7, lr;
	s5 =	simm.s32 $0xFFFFFFFF;
	p2 =	slt.u32 s8, $0xFFFFF086  }
0x1c: {  	p1 =	slt.u32 s9, $0xF7A;
	s5 =	simm.s32 @!p2 $0x0  }
0x1d: {  	s5 =	simm.s32 @p1 $0x1;
	p0 =	seq.s32 s7, s2  }
0x1e: {  	s7 =	smul.u32 @!p0 $0xF7A, s2;
	p2 =	seq.s32 @!p0 s5, $0x0  }
0x1f: {  	s9 =	smul.u32 $0xF7A, s1;
	s8 =	simm.s32 @!p0 $0x1BF5;
	p2 =	por !p2, p0  }
0x20: {  	[sflag:s8] =	ssyncset.s32 @!p0 $0xFFFFF086;
	s6 =	sadd.s32 @!p0 s3, s7;
	s7 =	simm.s32 @!p0 $0x108  }
0x21: {  	s3 =	sadd.s32 s3, s9;
	s6 =	sadd.s32 @!p0 $0x88, s6;
	s7 =	simm.s32 @p2 $0x1082  }
0x22: {  	[simem:s7], [sflag:s8] =	dma.local @!p0 [hbm:s6], $0xF7A  }
0x23: {  	s9 =	sor.u32 $0xD0000000, s2;
	s6 =	simm.s32 $0x108;
	_ =	swait.ge @!p0 [sflag:s8], $0x0  }
0x24: {  	s3 =	sadd.s32 $0x88, s3;
	s6 =	simm.s32 @!p1 $0x1082;
	[sflag:s4] =	ssyncset.s32 $0xFFFFF086  }
0x25: {  	[simem:s6], [sflag:s4] =	dma.local [hbm:s3], $0xF7A  }
0x26: {  	[smem:$0x3F9F] =	sst s1;
	(tag) =	ssettag s2;
	_ =	strace s9  }
0x27: {  	s1 =	sld [smem:$0x3FAF]  }
0x28: {  	s2 =	sld [smem:$0x3FB0]  }
0x29: {  	s4 =	sld [smem:$0x3FB2]  }
0x2a: {  	p0 =	seq.s32 s5, $0x0;
	s5 =	sld [smem:$0x3FB3]  }
0x2b: {  	s6 =	sld [smem:$0x3FB4]  }
0x2c: {  	s7 =	sld [smem:$0x3FB5]  }
0x2d: {  	s3 =	simm.s32 $0x108;
	s8 =	sld [smem:$0x3FB6]  }
0x2e: {  	s3 =	simm.s32 @!p0 $0x1082;
	s9 =	sld [smem:$0x3FB7]  }
0x2f: {  	lr =	sadd.s32 s0, s3;
	s0 =	sld [smem:$0x3FAE]  }
0x30: {  	s3 =	sld [smem:$0x3FB1]  }
0x31: {  	[smem:$0x3FBA] =	sst s10  }
0x32: {  	s10 =	sld [smem:$0x3FB8];
	_ =	sdelay $0x3  }
0x33: {  	p0 =	seq.s32 s10, $0x1;
	s10 =	sld [smem:$0x3FBA];
	_ =	sdelay $0x3  }
0x34: {  	[smem:$0x3FBA] =	sst s10  }
0x35: {  	s10 =	sld [smem:$0x3FB9];
	_ =	sdelay $0x3  }
0x36: {  	p1 =	seq.s32 s10, $0x1;
	s10 =	sld [smem:$0x3FBA];
	_ =	sdelay $0x3  }
0x37: {  	[smem:$0x3FBA] =	sst s10  }
0x38: {  	s10 =	sld [smem:$0x3FBB]  }
0x39: {  	_ = 	snop;
	(pc) =	sbr.ind lr, $3  }
0x3a: {  	_ = 	snop  }
0x3b: {  	_ = 	snop  }
0x3c: {  	p2 =	seq.s32 s10, $0x1;
	s10 =	sld [smem:$0x3FBA]  }
0x3d: {  	_ =	shalt  }
0x3e: {  	_ =	shalt  }
0x3f: {  	_ =	shalt  }
0x40: {  	_ =	shalt  }
0x41: {  	_ =	shalt  }
0x42: {  	_ =	shalt  }
0x43: {  	_ =	shalt  }
0x44: {  	_ =	shalt  }
0x45: {  	_ =	shalt  }
0x46: {  	_ =	shalt  }
0x47: {  	_ =	shalt  }
0x48: {  	_ =	shalt  }
0x49: {  	_ =	shalt  }
0x4a: {  	_ =	shalt  }
0x4b: {  	_ =	shalt  }
0x4c: {  	_ =	shalt  }
0x4d: {  	_ =	shalt  }
0x4e: {  	_ =	shalt  }
0x4f: {  	_ =	shalt  }
0x50: {  	_ =	shalt  }
0x51: {  	_ =	shalt  }
0x52: {  	_ =	shalt  }
0x53: {  	_ =	shalt  }
0x54: {  	_ =	shalt  }
0x55: {  	_ =	shalt  }
0x56: {  	_ =	shalt  }
0x57: {  	_ =	shalt  }
0x58: {  	_ =	shalt  }
0x59: {  	_ =	shalt  }
0x5a: {  	_ =	shalt  }
0x5b: {  	_ =	shalt  }
0x5c: {  	_ =	shalt  }
0x5d: {  	_ =	shalt  }
0x5e: {  	_ =	shalt  }
0x5f: {  	_ =	shalt  }
0x60: {  	_ =	shalt  }
0x61: {  	_ =	shalt  }
0x62: {  	_ =	shalt  }
0x63: {  	_ =	shalt  }
0x64: {  	_ =	shalt  }
0x65: {  	_ =	shalt  }
0x66: {  	_ =	shalt  }
0x67: {  	_ =	shalt  }
0x68: {  	_ =	shalt  }
0x69: {  	_ =	shalt  }
0x6a: {  	_ =	shalt  }
0x6b: {  	_ =	shalt  }
0x6c: {  	_ =	shalt  }
0x6d: {  	_ =	shalt  }
0x6e: {  	_ =	shalt  }
0x6f: {  	_ =	shalt  }
0x70: {  	_ =	shalt  }
0x71: {  	_ =	shalt  }
0x72: {  	_ =	shalt  }
0x73: {  	_ =	shalt  }
0x74: {  	_ =	shalt  }
0x75: {  	_ =	shalt  }
0x76: {  	_ =	shalt  }
0x77: {  	_ =	shalt  }
0x78: {  	_ =	shalt  }
0x79: {  	_ =	shalt  }
0x7a: {  	_ =	shalt  }
0x7b: {  	_ =	shalt  }
0x7c: {  	_ =	shalt  }
0x7d: {  	_ =	shalt  }
0x7e: {  	_ =	shalt  }
0x7f: {  	_ =	shalt  }
0x80: {  	_ =	shalt  }
0x81: {  	_ =	shalt  }
0x82: {  	_ =	shalt  }
0x83: {  	_ =	shalt  }
0x84: {  	_ =	shalt  }
0x85: {  	_ =	shalt  }
0x86: {  	_ =	shalt  }
0x87: {  	_ =	shalt  }
.Lfunc_end0:
.L_simem_size_0:
called_computation_lowered:
.L_overlay_start_0:
0x88: {  	s2 =	sld [smem:$0x3FD9]  }
0x89: {  	s3 =	sld [smem:$0x3FFE];
	_ =	sdelay $0x1  }
0x8a: {  	s1 =	srdreg.scid  }
0x8b: {  	s0 =	sand.u32 $0x1, s1  }
0x8c: {  	s17 =	sshll.u32 s0, $0xA;
	s2 =	sadd.s32 s3, s2  }
0x8d: {  	s2 =	sadd.s32 s2, s17  }
0x8e: {  	[smem:$0x3FC6] =	sst s2  }
0x8f: {  	_ = 	snop  }
0x90: {  	s2 =	sld [smem:$0x3FD0];
	(tm) =	ssettm $0x1  }
0x91: {  	s18 =	sld [smem:$0x3FFB];
	_ =	sdelay $0x3  }
0x92: {  	_ =	strace s18  }
0x93: {  	s3 =	sld [smem:$0x3FFC];
	_ =	sdelay $0x3  }
0x94: {  	_ =	strace s3  }
0x95: {  	s3 =	sld [smem:$0x3FFD];
	_ =	sdelay $0x3  }
0x96: {  	_ =	strace s3  }
0x97: {  	_ =	strace $0x8FFFFFFF  }
0x98: {  	s19 =	sld [smem:$0x3FDB];
	_ =	sdelay $0x1  }
0x99: {  	s4 =	simm.s32 $_scs_section_size  }
0x9a: {  	s5 =	simm.s32 $_size__tile_overlayer_lowered;
	s6 =	simm.s32 $_tile_overlayer_lowered  }
0x9b: {  	s22 =	simm.s32 $0x1BFF;
	s21 =	sshll.u32 s6, $0x1;
	s3 =	sadd.s32 s4, s19  }
0x9c: {  	s7 =	simm.s32 $0x0;
	s20 =	sshll.u32 s5, $0x1;
	s5 =	sadd.s32 s21, s3  }
0x9d: {  	[timem:s7], [sflag:s22] =	dma.local [hbm:s5], s20  }
0x9e: {  	_ =	swait.ge [sflag:s22], s20  }
0x9f: {  	s4 =	ssub.s32 $0x0, s20;
	[sflag:s22] =	ssyncset.done $0x0  }
0xa0: {  	[sflag:s22] =	ssyncadd.s32 s4;
	_ =	sdelay $0x1  }
0xa1: {  	s23 =	simm.s32 $0x1B8B  }
0xa2: {  	_ =	swait.ge [sflag:s23], $0x1  }
0xa3: {  	[sflag:s23] =	ssyncset.done $0x0  }
0xa4: {  	s25 =	simm.s32 $0x1B8E;
	s24 =	sld [smem:$0x3FFE];
	[sflag:s23] =	ssyncadd.s32 $0xFFFFFFFF  }
0xa5: {  	s26 =	simm.s32 $execute0_lowered;
	[smem:$0x3FD2] =	sst s25  }
0xa6: {  	s5 =	sshll.u32 s26, $0x1;
	_ =	strace $0x80000046;
	[dreg:$0x1] =	wrdreg $0xFFFFFFFF  }
0xa7: {  	s28 =	simm.s32 $_size_execute0_lowered;
	s3 =	sadd.s32 s3, s5;
	[dreg:$0x0] =	wrdreg $0x0  }
0xa8: {  	s5 =	sshll.u32 s28, $0x1;
	[dreg:$0x2] =	wrdreg s3  }
0xa9: {  	[dreg:$0x3] =	wrdreg s5  }
0xaa: {  	[dreg:$0x4] =	wrdreg $0xC0  }
0xab: {  	_ =	task [dreg:s7], $0x5FFFF  }
0xac: {  	[dreg:$0x1] =	wrdreg $0xFFFFFFFF  }
0xad: {  	[dreg:$0x0] =	wrdreg $0x60  }
0xae: {  	[dreg:$0x2] =	wrdreg s2  }
0xaf: {  	[dreg:$0x3] =	wrdreg s24  }
0xb0: {  	[dreg:$0x4] =	wrdreg $0x9  }
0xb1: {  	_ =	task.clear_ibuf [dreg:s7], $0x5FFFF;
	_ =	strace $0x90000046  }
0xb2: {  	s29 =	simm.s32 $0x9;
	_ =	strace $0x80000048  }
0xb3: {  	_ =	swait.ge [sflag:s29], $0x1  }
0xb4: {  	[sflag:s29] =	ssyncadd.s32 $0xFFFFFFFF  }
0xb5: {  	_ =	strace $0x90000048  }
0xb6: {  	_ =	sfence  }
0xb7: {  	s30 =	sld [smem:$0x0];
	_ =	sdelay $0x2  }
0xb8: {  	s31 =	sshll.u32 s1, $0xD;
	s1 =	sshrl.u32 s1, $0x2  }
0xb9: {  	s3 =	sand.u32 $0x4000, s31;
	s1 =	sadd.s32 s1, s30  }
0xba: {  	s0 =	sor.u32 s3, s0;
	s1 =	sshll.u32 s1, $0x11  }
0xbb: {  	s0 =	sor.u32 s1, s0  }
0xbc: {  	s0 =	sadd.s32 $0x8F2B, s0  }
0xbd: {  	[sflag:s0] =	ssyncadd.remote.s32 $0x1  }
0xbe: {  	_ =	sfence.sel $0xFFFF  }
0xbf: {  	[dreg:$0x0] =	wrdreg $0xFFFFFFFF;
	(pc) =	sbr.abs _section_cstart, $3  }
0xc0: {  	[dreg:$0x1] =	wrdreg $0xFFFFFFFF  }
0xc1: {  	_ =	task.clear_ibuf [dreg:s7], $0x2FFFF;
	_ =	strace $0x9FFFFFFF  }
0xc2: {  	(tm) =	ssettm $0x7FFFFFFF  }
0xc3: {  	_ =	shalt  }
tec
execute0_lowered:
.L_overlay_start_1:
0x0: {  	(tag) =	ssettag $0x1  }
0x1: {  	s3 =	rddreg [dreg:$0x0]  }
0x2: {  	s4 =	rddreg [dreg:$0x1]  }
0x3: {  	s0 =	rddreg [dreg:$0x2]  }
0x4: {  	s5 =	srdreg.scid;
	s1 =	stileid.u32  }
0x5: {  	s2 =	simm.s32 $0x0;
	s5 =	sand.u32 $0x1, s5;
	s6 =	sshll.u32 s1, $0x1  }
0x6: {  	[smem:$0x7FF] =	sst s2;
	s6 =	sor.u32 s5, s6;
	s5 =	ssub.s32 $0x2, s5  }
0x7: {  	_ =	strace $0x80000047;
	s7 =	sshll.u32 s6, $0x5;
	s8 =	sshrl.u32 s5, $0x1  }
0x8: {  	v0 =	vlaneseq.u32;
	s6 =	sshll.u32 s6, $0x8;
	s4 =	sadd.s32 s7, s4;
	s5 =	ssub.s32 s5, s8  }
0x9: {  	v0 =	vmul.u32 $0x8, v0;
	s3 =	sadd.s32 s3, s6;
	s6 =	simm.s32 $0x1;
	s7 =	simm.s32 $0x800  }
0xa: {  	v1 =	vimm.s32 $0x0;
	s8 =	simm.s32 $0x0;
	s4 =	sadd.s32 $0x600, s4;
	s5 =	smax.u32 s5, $0x1  }
.LBB2_1:
0xb: {  	v2 =	vmov s2  }
0xc: {  	v2 =	vshll.u32 v2, $0x3  }
0xd: {  	v2 =	vor.u32 v0, v2  }
0xe: {  	[tilespmem:s2], [sflag:$0x1] =	stream.linear.gather [hbm4b:s3+s2], $0x800, $0x38;
	v3 =	vor.u32 $0x1, v2;
	[tilespmem:$0x900] =	vst v63  }
0xf: {  	_ =	swait.ge [sflag:s6], $0x800  }
0x10: {  	[sflag:s6] =	ssyncset.done $0x0;
	v4 =	vor.u32 $0x2, v2  }
0x11: {  	[sflag:s6] =	ssyncadd.s32 $0xFFFFF800  }
0x12: {  	v5 =	vor.u32 $0x3, v2;
	v6 =	vld.idx.msk [tilespmem:v2+s2+$0x0], $0xffff  }
0x13: {  	v3 =	vld.idx.msk [tilespmem:v3+s2+$0x0], $0xffff  }
0x14: {  	v7 =	vor.u32 $0x4, v2  }
0x15: {  	v4 =	vld.idx.msk [tilespmem:v4+s2+$0x0], $0xffff  }
0x16: {  	v8 =	vor.u32 $0x5, v2  }
0x17: {  	v5 =	vld.idx.msk [tilespmem:v5+s2+$0x0], $0xffff  }
0x18: {  	v9 =	vor.u32 $0x6, v2;
	vm0 =	vgt.f32 v3, v6  }
0x19: {  	v7 =	vld.idx.msk [tilespmem:v7+s2+$0x0], $0xffff;
	v3 =	vsel vm0, v3, v6  }
0x1a: {  	v2 =	vor.u32 $0x7, v2;
	vm1 =	vgt.f32 v4, v3  }
0x1b: {  	v6 =	vld.idx.msk [tilespmem:v8+s2+$0x0], $0xffff;
	v3 =	vsel vm1, v4, v3  }
0x1c: {  	vm2 =	vgt.f32 v5, v3  }
0x1d: {  	v4 =	vld.idx.msk [tilespmem:v9+s2+$0x0], $0xffff;
	v3 =	vsel vm2, v5, v3  }
0x1e: {  	s9 =	simm.s32 $0x10;
	vm3 =	vgt.f32 v7, v3  }
0x1f: {  	v2 =	vld.idx.msk [tilespmem:v2+s2+$0x0], $0xffff;
	v8 =	vsel vm0, $0x1, v1;
	v5 =	vmov s9;
	v3 =	vsel vm3, v7, v3  }
0x20: {  	v5 =	vshll.u32 v5, $0x3;
	v7 =	vsel vm1, $0x2, v8;
	vm0 =	vgt.f32 v6, v3  }
0x21: {  	v5 =	vor.u32 v0, v5;
	v7 =	vsel vm2, $0x3, v7;
	v3 =	vsel vm0, v6, v3  }
0x22: {  	v6 =	vor.u32 $0x1, v5;
	v7 =	vsel vm3, $0x4, v7;
	vm1 =	vgt.f32 v4, v3  }
0x23: {  	v7 =	vsel vm0, $0x5, v7;
	v3 =	vsel vm1, v4, v3  }
0x24: {  	v4 =	vsel vm1, $0x6, v7;
	vm0 =	vgt.f32 v2, v3  }
0x25: {  	v2 =	vor.u32 $0x2, v5;
	v3 =	vsel vm0, $0x7, v4  }
0x26: {  	[tilespmem:s7+$0x0] =	vst v3  }
0x27: {  	v4 =	vor.u32 $0x3, v5;
	v3 =	vld.idx.msk [tilespmem:v6+s2+$0x0], $0xffff  }
0x28: {  	v6 =	vld.idx.msk [tilespmem:v5+s2+$0x0], $0xffff  }
0x29: {  	v7 =	vor.u32 $0x4, v5  }
0x2a: {  	v2 =	vld.idx.msk [tilespmem:v2+s2+$0x0], $0xffff  }
0x2b: {  	v8 =	vor.u32 $0x5, v5  }
0x2c: {  	v4 =	vld.idx.msk [tilespmem:v4+s2+$0x0], $0xffff  }
0x2d: {  	v63 =	vor.u32 $0x6, v5;
	vm2 =	vgt.f32 v3, v6  }
0x2e: {  	v7 =	vld.idx.msk [tilespmem:v7+s2+$0x0], $0xffff;
	v6 =	vsel vm2, v3, v6  }
0x2f: {  	v10 =	vor.u32 $0x7, v5;
	vm3 =	vgt.f32 v2, v6  }
0x30: {  	v3 =	vld.idx.msk [tilespmem:v8+s2+$0x0], $0xffff;
	v2 =	vsel vm3, v2, v6  }
0x31: {  	vm0 =	vgt.f32 v4, v2  }
0x32: {  	v4 =	vsel vm0, v4, v2;
	v2 =	vld.idx.msk [tilespmem:v63+s2+$0x0], $0xffff  }
0x33: {  	s31 =	simm.s32 $0x20;
	vm1 =	vgt.f32 v7, v4  }
0x34: {  	v8 =	vsel vm2, $0x1, v1;
	v6 =	vmov s31;
	v5 =	vsel vm1, v7, v4;
	v4 =	vld.idx.msk [tilespmem:v10+s2+$0x0], $0xffff  }
0x35: {  	s10 =	simm.s32 $0x30;
	s9 =	simm.s32 $0x800;
	v6 =	vshll.u32 v6, $0x3;
	v7 =	vsel vm3, $0x2, v8;
	vm2 =	vgt.f32 v3, v5  }
.LBB2_2:
0x36: {  	p0 =	sne.s32 s10, $0xF0;
	v6 =	vor.u32 v0, v6;
	v7 =	vsel vm0, $0x3, v7;
	v3 =	vsel vm2, v3, v5  }
0x37: {  	v5 =	vor.u32 $0x1, v6;
	v7 =	vsel vm1, $0x4, v7;
	vm0 =	vgt.f32 v2, v3  }
0x38: {  	v7 =	vsel vm2, $0x5, v7;
	v2 =	vsel vm0, v2, v3  }
0x39: {  	v3 =	vsel vm0, $0x6, v7;
	vm0 =	vgt.f32 v4, v2  }
0x3a: {  	s9 =	sadd.s32 $0x10, s9;
	v2 =	vor.u32 $0x2, v6;
	v3 =	vsel vm0, $0x7, v3  }
0x3b: {  	[tilespmem:s9+$0x0] =	vst v3  }
0x3c: {  	v4 =	vor.u32 $0x3, v6;
	v3 =	vld.idx.msk [tilespmem:v5+s2+$0x0], $0xffff  }
0x3d: {  	v5 =	vld.idx.msk [tilespmem:v6+s2+$0x0], $0xffff  }
0x3e: {  	v7 =	vor.u32 $0x4, v6  }
0x3f: {  	v2 =	vld.idx.msk [tilespmem:v2+s2+$0x0], $0xffff  }
0x40: {  	v8 =	vor.u32 $0x5, v6  }
0x41: {  	v4 =	vld.idx.msk [tilespmem:v4+s2+$0x0], $0xffff  }
0x42: {  	v9 =	vor.u32 $0x6, v6  }
0x43: {  	vm2 =	vgt.f32 v3, v5;
	v7 =	vld.idx.msk [tilespmem:v7+s2+$0x0], $0xffff  }
0x44: {  	v6 =	vor.u32 $0x7, v6;
	v5 =	vsel vm2, v3, v5  }
0x45: {  	vm3 =	vgt.f32 v2, v5;
	v3 =	vld.idx.msk [tilespmem:v8+s2+$0x0], $0xffff  }
0x46: {  	v5 =	vsel vm3, v2, v5  }
.Ltmp0:
0x47: {  	vm0 =	vgt.f32 v4, v5;
	v2 =	vld.idx.msk [tilespmem:v9+s2+$0x0], $0xffff;
	(pc) =	sbr.rel @p0 .LBB2_2-.Ltmp0, $4  }
0x48: {  	v5 =	vsel vm0, v4, v5  }
0x49: {  	vm1 =	vgt.f32 v7, v5;
	v4 =	vld.idx.msk [tilespmem:v6+s2+$0x0], $0xffff  }
0x4a: {  	v8 =	vsel vm2, $0x1, v1;
	v6 =	vmov s10;
	v5 =	vsel vm1, v7, v5  }
0x4b: {  	s10 =	sadd.s32 $0x10, s10;
	v7 =	vsel vm3, $0x2, v8;
	v6 =	vshll.u32 v6, $0x3;
	vm2 =	vgt.f32 v3, v5  }
0x4c: {  	v6 =	vor.u32 v0, v6;
	v7 =	vsel vm0, $0x3, v7;
	v3 =	vsel vm2, v3, v5  }
0x4d: {  	v56 =	vor.u32 $0x1, v6;
	v7 =	vsel vm1, $0x4, v7;
	vm8 =	vgt.f32 v2, v3  }
0x4e: {  	v7 =	vsel vm2, $0x5, v7;
	v2 =	vsel vm8, v2, v3  }
0x4f: {  	v3 =	vsel vm8, $0x6, v7;
	vm9 =	vgt.f32 v4, v2  }
0x50: {  	s9 =	sadd.s32 $0x10, s9;
	v2 =	vor.u32 $0x2, v6;
	v3 =	vsel vm9, $0x7, v3  }
0x51: {  	[tilespmem:s9+$0x0] =	vst v3  }
0x52: {  	v57 =	vor.u32 $0x3, v6;
	v3 =	vld.idx.msk [tilespmem:v56+s2+$0x0], $0xffff  }
0x53: {  	v58 =	vld.idx.msk [tilespmem:v6+s2+$0x0], $0xffff  }
0x54: {  	v59 =	vor.u32 $0x4, v6  }
0x55: {  	v2 =	vld.idx.msk [tilespmem:v2+s2+$0x0], $0xffff  }
0x56: {  	v8 =	vor.u32 $0x5, v6  }
0x57: {  	v4 =	vld.idx.msk [tilespmem:v57+s2+$0x0], $0xffff  }
0x58: {  	v9 =	vor.u32 $0x6, v6;
	vm10 =	vgt.f32 v3, v58  }
0x59: {  	v7 =	vld.idx.msk [tilespmem:v59+s2+$0x0], $0xffff;
	v3 =	vsel vm10, v3, v58  }
0x5a: {  	v60 =	vor.u32 $0x7, v6;
	vm11 =	vgt.f32 v2, v3  }
0x5b: {  	v61 =	vld.idx.msk [tilespmem:v8+s2+$0x0], $0xffff;
	v2 =	vsel vm11, v2, v3  }
0x5c: {  	vm12 =	vgt.f32 v4, v2  }
0x5d: {  	v3 =	vld.idx.msk [tilespmem:v9+s2+$0x0], $0xffff;
	v2 =	vsel vm12, v4, v2  }
0x5e: {  	vm3 =	vgt.f32 v7, v2  }
0x5f: {  	v62 =	vld.idx.msk [tilespmem:v60+s2+$0x0], $0xffff;
	v63 =	vsel vm10, $0x1, v1;
	v2 =	vsel vm3, v7, v2  }
0x60: {  	v5 =	vsel vm11, $0x2, v63;
	vm13 =	vgt.f32 v61, v2  }
0x61: {  	v5 =	vsel vm12, $0x3, v5;
	v2 =	vsel vm13, v61, v2  }
0x62: {  	v5 =	vsel vm3, $0x4, v5;
	vm14 =	vgt.f32 v3, v2  }
0x63: {  	v5 =	vsel vm13, $0x5, v5;
	v2 =	vsel vm14, v3, v2  }
0x64: {  	s8 =	sadd.s32 $0x1, s8;
	v3 =	vsel vm14, $0x6, v5;
	vm15 =	vgt.f32 v62, v2  }
0x65: {  	p0 =	sne.s32 s8, s5;
	s9 =	sadd.s32 $0x10, s9;
	v2 =	vsel vm15, $0x7, v3  }
.Ltmp1:
0x66: {  	[tilespmem:s9+$0x0] =	vst v2;
	(pc) =	sbr.rel @p0 .LBB2_1-.Ltmp1, $4  }
0x67: {  	[hbm4b:s4+s2] =	stream.linear.scatter [tilespmem:s7], [sflag:$0x1], $0x100, $0x38;
	[tilespmem:$0x900] =	vst v63  }
0x68: {  	_ =	swait.ge [sflag:s6], $0x100  }
0x69: {  	[sflag:s6] =	ssyncset.done $0x0  }
0x6a: {  	[sflag:s6] =	ssyncadd.s32 $0xFFFFFF00  }
0x6b: {  	_ =	sfence.sel $0x180000  }
0x6c: {  	[bflag:$0x0] =	sbarrier.arrive $0xFFFF  }
0x6d: {  	p0 =	sne.s32 s1, $0x0;
	_ =	strace $0x90000047  }
0x6e: {  	s0 =	sadd.s32 @!p0 $0x100000, s0;
	[bflag:$0x2] =	sbarrier.arrive $0xFFFF  }
0x6f: {  	[sflag:s0] =	ssyncadd.tile.s32 @!p0 $0x1;
	_ =	shalt  }
.Lfunc_end2:
_tile_overlayer_lowered:
.L_overlay_start_2:
0x70: {  	(tag) =	ssettag $0x2  }
0x71: {  	s0 =	rddreg [dreg:$0x0];
	s2 =	stileid.u32  }
0x72: {  	s1 =	rddreg [dreg:$0x1];
	p0 =	sne.s32 s2, $0x0  }
0x73: {  	s3 =	rddreg [dreg:$0x2];
	[bflag:$0x3] =	sbarrier.arrive $0xFFFF;
	s2 =	simm.s32 @!p0 $0x1C01  }
0x74: {  	[timem:s3], [sflag:s2] =	dma.local @!p0 [hbm:s0], s1  }
0x75: {  	s0 =	simm.s32 @!p0 $0x1  }
0x76: {  	_ =	swait.ge @!p0 [sflag:s0], s1  }
0x77: {  	s1 =	ssub.s32 @!p0 $0x0, s1;
	[sflag:s0] =	ssyncset.done @!p0 $0x0  }
0x78: {  	[sflag:s0] =	ssyncadd.s32 @!p0 s1  }
0x79: {  	[bflag:$0x3] =	sbarrier.arrive $0xFFFF  }
0x7a: {  	_ =	shalt  }

</sc_bundles>
